<compile_context>
chip_gen: v7x
topology: tpu7x:2x2x1
jax: 0.10.2.dev20260603
libtpu: 0.0.44.dev20260713+nightly
codegen_flags: <defaults>
</compile_context>

<pallas_src>
import functools

import jax
import jax.numpy as jnp
from jax import lax
from jax.experimental import pallas as pl
from jax.experimental.pallas import tpu as pltpu
from jax.experimental.pallas import tpu_sc as plsc

N_CELLS = 512
N_GENES = 1000
D = 128

_info = plsc.get_sparse_core_info()
_NC, _NS = _info.num_cores, _info.num_subcores
_BPW = 40
_NACT = N_GENES // _BPW


def _gather_sc(weight1, bias1, idx):
    mesh = plsc.VectorSubcoreMesh(core_axis_name="c", subcore_axis_name="s")

    @functools.partial(
        pl.kernel,
        mesh=mesh,
        out_type=(jax.ShapeDtypeStruct((N_GENES, D), jnp.float32),
                  jax.ShapeDtypeStruct((N_GENES,), jnp.float32)),
        scratch_types=[
            pltpu.VMEM((_BPW,), jnp.int32),
            pltpu.VMEM((_BPW, D), jnp.float32),
            pltpu.VMEM((_BPW,), jnp.float32),
            pltpu.SemaphoreType.DMA,
            pltpu.SemaphoreType.DMA,
            pltpu.SemaphoreType.DMA,
        ],
    )
    def k(w_hbm, b_hbm, idx_hbm, wout_hbm, bout_hbm,
          idx_v, rows_v, bsel_v, semw, semb, semo):
        wid = lax.axis_index("s") * _NC + lax.axis_index("c")
        base = wid * _BPW

        @pl.when(wid < _NACT)
        def _():
            pltpu.sync_copy(idx_hbm.at[pl.ds(base, _BPW)], idx_v)
            cw = pltpu.async_copy(w_hbm.at[idx_v], rows_v, semw)
            cb = pltpu.async_copy(b_hbm.at[idx_v], bsel_v, semb)
            cw.wait()
            ow = pltpu.async_copy(rows_v, wout_hbm.at[pl.ds(base, _BPW)], semo)
            cb.wait()
            pltpu.sync_copy(bsel_v, bout_hbm.at[pl.ds(base, _BPW)])
            ow.wait()

    return k(weight1, bias1, idx)


_CB = 32


def _tc_body(w_ref, b_ref, e_ref, out_ref):
    prod = e_ref[...] * w_ref[...][None, :, :]
    out_ref[...] = jnp.sum(jnp.swapaxes(prod, 1, 2), axis=1) + b_ref[...]


def kernel(cell_gene_embedding, gene_ix, weight1, bias1):
    w_gath, b_gath = _gather_sc(weight1, bias1, gene_ix)
    b2 = b_gath.reshape(1, N_GENES)

    out = pl.pallas_call(
        _tc_body,
        grid=(N_CELLS // _CB,),
        in_specs=[
            pl.BlockSpec((N_GENES, D), lambda i: (0, 0)),
            pl.BlockSpec((1, N_GENES), lambda i: (0, 0)),
            pl.BlockSpec((_CB, N_GENES, D), lambda i: (i, 0, 0)),
        ],
        out_specs=pl.BlockSpec((_CB, N_GENES), lambda i: (i, 0)),
        out_shape=jax.ShapeDtypeStruct((N_CELLS, N_GENES), jnp.float32),
    )(w_gath, b2, cell_gene_embedding)
    return out

# --- scband reference (transcript-rebuilt; emitter-appended) ---
"""Pipeline reference for scband-embedding-to-expression-1443109012240 (READ-ONLY COPY).

The authoritative reference and input builder live on the scoring server;
editing this copy changes nothing except your own understanding.
"""

import jax, jax.numpy as jnp
import numpy as np
import math

N_CELLS = 512
N_GENES_SEL = 1000
N_GENES = 1000
D = 128


def setup_inputs(seed: int = 0):
    key = jax.random.key(seed)
    k1, k2, k3 = jax.random.split(key, 3)
    cell_gene_embedding = jax.random.normal(k1, (N_CELLS, N_GENES_SEL, D), dtype=jnp.float32)
    gene_ix = jax.random.randint(k2, (N_GENES_SEL,), 0, N_GENES, dtype=jnp.int32)
    stdv = 1.0 / math.sqrt(D) / 100.0
    weight1 = jax.random.uniform(k3, (N_GENES, D), minval=-stdv, maxval=stdv, dtype=jnp.float32)
    bias1 = jnp.zeros((N_GENES,), dtype=jnp.float32)  # mean_gene_expression = zeros
    return {
        "cell_gene_embedding": cell_gene_embedding,
        "gene_ix": gene_ix,
        "weight1": weight1,
        "bias1": bias1,
    }


def reference(cell_gene_embedding, gene_ix, weight1, bias1):
    # (cell_gene_embedding * self.weight1[gene_ix]).sum(-1) + self.bias1[gene_ix]
    w = jnp.take(weight1, gene_ix, axis=0)          # [G_sel, D] gather
    b = jnp.take(bias1, gene_ix, axis=0)            # [G_sel] gather
    out = (cell_gene_embedding * w[None, :, :]).sum(-1) + b[None, :]
    return out  # [N_CELLS, G_sel]

if __name__ == "__main__":
    import jax
    _d = setup_inputs()
    print(jax.jit(kernel)(*tuple(_d.values())))

</pallas_src>

<mosaic_0001>
#map = affine_map<(d0, d1) -> (0, 0)>
#map1 = affine_map<(d0, d1) -> (0)>
module attributes {stable_mosaic.version = 14 : i64} {
  func.func @k(%arg0: i32, %arg1: i32, %arg2: memref<1000x128xf32, #tpu.memory_space<hbm>>, %arg3: memref<1000xf32, #tpu.memory_space<hbm>>, %arg4: memref<1000xi32, #tpu.memory_space<hbm>>, %arg5: memref<1000x128xf32, #tpu.memory_space<hbm>>, %arg6: memref<1000xf32, #tpu.memory_space<hbm>>, %arg7: memref<40xi32, #tpu.memory_space<vmem>>, %arg8: memref<40x128xf32, #tpu.memory_space<vmem>>, %arg9: memref<40xf32, #tpu.memory_space<vmem>>, %arg10: memref<!tpu.dma_semaphore, #tpu.memory_space<semaphore_mem>>, %arg11: memref<!tpu.dma_semaphore, #tpu.memory_space<semaphore_mem>>, %arg12: memref<!tpu.dma_semaphore, #tpu.memory_space<semaphore_mem>>) attributes {dimension_semantics = [#tpu.dimension_semantics<core_parallel>, #tpu.dimension_semantics<subcore_parallel>], iteration_bounds = array<i64: 2, 16>, scalar_prefetch = 0 : i64, scratch_operands = 6 : i64, tpu.core_type = #tpu.core_type<sc_vector_subcore>, window_params = [{transform_indices = #map}, {transform_indices = #map1}, {transform_indices = #map1}, {transform_indices = #map}, {transform_indices = #map1}]} {
    %mul3A = arith.constant 2 : i32
    %mul3A_0 = arith.muli %arg1, %mul3A : i32
    %add3A = arith.addi %mul3A_0, %arg0 : i32
    %mul3A_1 = arith.constant 40 : i32
    %mul3A_2 = arith.muli %add3A, %mul3A_1 : i32
    %lt3A = arith.constant 25 : i32
    %lt3A_3 = arith.cmpi slt, %add3A, %lt3A : i32
    %convert_element_type3A = arith.extui %lt3A_3 : i1 to i32
    %cond3A = arith.constant 0 : i32
    %cond3A_4 = arith.cmpi ne, %convert_element_type3A, %cond3A : i32
    scf.if %cond3A_4 {
      "tpu.region"() ({
        %run_scoped3A = tpu.sem_alloc : memref<!tpu.dma_semaphore, #tpu.memory_space<semaphore_mem>>
        %dma_start3A_21 = tpu.memref_slice %arg4[%mul3A_2] : memref<1000xi32, #tpu.memory_space<hbm>> -> memref<40xi32, #tpu.memory_space<hbm>>
        %dma_start3A_22 = tpu.memref_slice %arg4[%mul3A_2] : memref<1000xi32, #tpu.memory_space<hbm>> -> memref<40xi32, #tpu.memory_space<hbm>>
        tpu.enqueue_dma source(%dma_start3A_22 : memref<40xi32, #tpu.memory_space<hbm>>) target(%arg7 : memref<40xi32, #tpu.memory_space<vmem>>) target_semaphore(%run_scoped3A : memref<!tpu.dma_semaphore, #tpu.memory_space<semaphore_mem>>)
        %dma_wait3A_23 = tpu.memref_slice %arg4[%mul3A_2] : memref<1000xi32, #tpu.memory_space<hbm>> -> memref<40xi32, #tpu.memory_space<hbm>>
        %dma_wait3A_24 = tpu.memref_slice %arg4[%mul3A_2] : memref<1000xi32, #tpu.memory_space<hbm>> -> memref<40xi32, #tpu.memory_space<hbm>>
        tpu.wait_dma2 semaphore(%run_scoped3A : memref<!tpu.dma_semaphore, #tpu.memory_space<semaphore_mem>>) src(%dma_wait3A_24 : memref<40xi32, #tpu.memory_space<hbm>>) dst(%arg7 : memref<40xi32, #tpu.memory_space<vmem>>)
        tpu.yield
      }) : () -> ()
      %dma_start3A = arith.constant 0 : i32
      %dma_start3A_5 = arith.constant 0 : i32
      %dma_start3A_6 = tpu.memref_slice %arg2[%dma_start3A, %dma_start3A_5] : memref<1000x128xf32, #tpu.memory_space<hbm>> -> memref<1000x128xf32, #tpu.memory_space<hbm>>
      tpu.enqueue_indirect_dma source(%dma_start3A_6 : memref<1000x128xf32, #tpu.memory_space<hbm>>) target(%arg8 : memref<40x128xf32, #tpu.memory_space<vmem>>) offsets(%arg7 : memref<40xi32, #tpu.memory_space<vmem>>) semaphore(%arg10 : memref<!tpu.dma_semaphore, #tpu.memory_space<semaphore_mem>>)
      %dma_start3A_7 = arith.constant 0 : i32
      %dma_start3A_8 = tpu.memref_slice %arg3[%dma_start3A_7] : memref<1000xf32, #tpu.memory_space<hbm>> -> memref<1000xf32, #tpu.memory_space<hbm>>
      tpu.enqueue_indirect_dma source(%dma_start3A_8 : memref<1000xf32, #tpu.memory_space<hbm>>) target(%arg9 : memref<40xf32, #tpu.memory_space<vmem>>) offsets(%arg7 : memref<40xi32, #tpu.memory_space<vmem>>) semaphore(%arg11 : memref<!tpu.dma_semaphore, #tpu.memory_space<semaphore_mem>>)
      %dma_wait3A = arith.constant 0 : i32
      %dma_wait3A_9 = arith.constant 0 : i32
      %dma_wait3A_10 = tpu.memref_slice %arg2[%dma_wait3A, %dma_wait3A_9] : memref<1000x128xf32, #tpu.memory_space<hbm>> -> memref<1000x128xf32, #tpu.memory_space<hbm>>
      tpu.wait_indirect_dma semaphore(%arg10 : memref<!tpu.dma_semaphore, #tpu.memory_space<semaphore_mem>>) src(%dma_wait3A_10 : memref<1000x128xf32, #tpu.memory_space<hbm>>) dst(%arg8 : memref<40x128xf32, #tpu.memory_space<vmem>>)
      %dma_start3A_11 = arith.constant 0 : i32
      %dma_start3A_12 = tpu.memref_slice %arg5[%mul3A_2, %dma_start3A_11] : memref<1000x128xf32, #tpu.memory_space<hbm>> -> memref<40x128xf32, #tpu.memory_space<hbm>>
      %dma_start3A_13 = arith.constant 0 : i32
      %dma_start3A_14 = tpu.memref_slice %arg5[%mul3A_2, %dma_start3A_13] : memref<1000x128xf32, #tpu.memory_space<hbm>> -> memref<40x128xf32, #tpu.memory_space<hbm>>
      tpu.enqueue_dma source(%arg8 : memref<40x128xf32, #tpu.memory_space<vmem>>) target(%dma_start3A_14 : memref<40x128xf32, #tpu.memory_space<hbm>>) target_semaphore(%arg12 : memref<!tpu.dma_semaphore, #tpu.memory_space<semaphore_mem>>)
      %dma_wait3A_15 = arith.constant 0 : i32
      %dma_wait3A_16 = tpu.memref_slice %arg3[%dma_wait3A_15] : memref<1000xf32, #tpu.memory_space<hbm>> -> memref<1000xf32, #tpu.memory_space<hbm>>
      tpu.wait_indirect_dma semaphore(%arg11 : memref<!tpu.dma_semaphore, #tpu.memory_space<semaphore_mem>>) src(%dma_wait3A_16 : memref<1000xf32, #tpu.memory_space<hbm>>) dst(%arg9 : memref<40xf32, #tpu.memory_space<vmem>>)
      "tpu.region"() ({
        %run_scoped3A = tpu.sem_alloc : memref<!tpu.dma_semaphore, #tpu.memory_space<semaphore_mem>>
        %dma_start3A_21 = tpu.memref_slice %arg6[%mul3A_2] : memref<1000xf32, #tpu.memory_space<hbm>> -> memref<40xf32, #tpu.memory_space<hbm>>
        %dma_start3A_22 = tpu.memref_slice %arg6[%mul3A_2] : memref<1000xf32, #tpu.memory_space<hbm>> -> memref<40xf32, #tpu.memory_space<hbm>>
        tpu.enqueue_dma source(%arg9 : memref<40xf32, #tpu.memory_space<vmem>>) target(%dma_start3A_22 : memref<40xf32, #tpu.memory_space<hbm>>) target_semaphore(%run_scoped3A : memref<!tpu.dma_semaphore, #tpu.memory_space<semaphore_mem>>)
        %dma_wait3A_23 = tpu.memref_slice %arg6[%mul3A_2] : memref<1000xf32, #tpu.memory_space<hbm>> -> memref<40xf32, #tpu.memory_space<hbm>>
        %dma_wait3A_24 = tpu.memref_slice %arg6[%mul3A_2] : memref<1000xf32, #tpu.memory_space<hbm>> -> memref<40xf32, #tpu.memory_space<hbm>>
        tpu.wait_dma2 semaphore(%run_scoped3A : memref<!tpu.dma_semaphore, #tpu.memory_space<semaphore_mem>>) src(%arg9 : memref<40xf32, #tpu.memory_space<vmem>>) dst(%dma_wait3A_24 : memref<40xf32, #tpu.memory_space<hbm>>)
        tpu.yield
      }) : () -> ()
      %dma_wait3A_17 = arith.constant 0 : i32
      %dma_wait3A_18 = tpu.memref_slice %arg5[%mul3A_2, %dma_wait3A_17] : memref<1000x128xf32, #tpu.memory_space<hbm>> -> memref<40x128xf32, #tpu.memory_space<hbm>>
      %dma_wait3A_19 = arith.constant 0 : i32
      %dma_wait3A_20 = tpu.memref_slice %arg5[%mul3A_2, %dma_wait3A_19] : memref<1000x128xf32, #tpu.memory_space<hbm>> -> memref<40x128xf32, #tpu.memory_space<hbm>>
      tpu.wait_dma2 semaphore(%arg12 : memref<!tpu.dma_semaphore, #tpu.memory_space<semaphore_mem>>) src(%arg8 : memref<40x128xf32, #tpu.memory_space<vmem>>) dst(%dma_wait3A_20 : memref<40x128xf32, #tpu.memory_space<hbm>>)
    } else {
    }
    return
  }
}

module attributes {stable_mosaic.version = 14 : i64} {
  func.func @_tc_body(%arg0: i32, %arg1: memref<1000x128xf32, #tpu.memory_space<vmem>>, %arg2: memref<1x1000xf32, #tpu.memory_space<vmem>>, %arg3: memref<32x1000x128xf32, #tpu.memory_space<vmem>>, %arg4: memref<32x1000xf32, #tpu.memory_space<vmem>>) attributes {dimension_semantics = [#tpu.dimension_semantics<arbitrary>], iteration_bounds = array<i64: 16>, scalar_prefetch = 0 : i64, scratch_operands = 0 : i64, tpu.core_type = #tpu.core_type<tc>, window_params = [{pipeline_mode = #tpu.pipeline_mode<synchronous>, transform_indices = @transform_0, window_bounds = array<i64: 1000, 128>}, {pipeline_mode = #tpu.pipeline_mode<synchronous>, transform_indices = @transform_1, window_bounds = array<i64: 1, 1000>}, {transform_indices = @transform_2, window_bounds = array<i64: 32, 1000, 128>}, {transform_indices = @transform_3, window_bounds = array<i64: 32, 1000>}]} {
    %get3A = arith.constant 0 : index
    %get3A_0 = arith.constant 0 : index
    %get3A_1 = arith.constant 0 : index
    %get3A_2 = vector.load %arg3[%get3A, %get3A_0, %get3A_1] : memref<32x1000x128xf32, #tpu.memory_space<vmem>>, vector<32x1000x128xf32>
    %get3A_3 = arith.constant 0 : index
    %get3A_4 = arith.constant 0 : index
    %get3A_5 = vector.load %arg1[%get3A_3, %get3A_4] : memref<1000x128xf32, #tpu.memory_space<vmem>>, vector<1000x128xf32>
    %broadcast_in_dim3A = vector.shape_cast %get3A_5 : vector<1000x128xf32> to vector<1x1000x128xf32>
    %mul3A = vector.broadcast %broadcast_in_dim3A : vector<1x1000x128xf32> to vector<32x1000x128xf32>
    %mul3A_6 = arith.mulf %get3A_2, %mul3A : vector<32x1000x128xf32>
    %transpose3A = tpu.transpose %mul3A_6, [0, 2, 1] : vector<32x1000x128xf32> -> vector<32x128x1000xf32>
    %reduce_sum3A = arith.constant dense<0.000000e+00> : vector<32x1000xf32>
    %reduce_sum3A_7 = vector.multi_reduction <add>, %transpose3A, %reduce_sum3A [1] : vector<32x128x1000xf32> to vector<32x1000xf32>
    %get3A_8 = arith.constant 0 : index
    %get3A_9 = arith.constant 0 : index
    %get3A_10 = vector.load %arg2[%get3A_8, %get3A_9] : memref<1x1000xf32, #tpu.memory_space<vmem>>, vector<1x1000xf32>
    %add3A = vector.broadcast %get3A_10 : vector<1x1000xf32> to vector<32x1000xf32>
    %add3A_11 = arith.addf %reduce_sum3A_7, %add3A : vector<32x1000xf32>
    %swap3A = arith.constant 0 : index
    %swap3A_12 = arith.constant 0 : index
    %swap3A_13 = vector.load %arg4[%swap3A, %swap3A_12] : memref<32x1000xf32, #tpu.memory_space<vmem>>, vector<32x1000xf32>
    tpu.vector_store %arg4[%swap3A, %swap3A_12], %add3A_11 {strides = array<i32>} : memref<32x1000xf32, #tpu.memory_space<vmem>>, vector<32x1000xf32>,
    return
  }
  func.func @transform_0(%arg0: i32) -> (i32, i32) {
    %c0_i32 = arith.constant 0 : i32
    %c0_i32_0 = arith.constant 0 : i32
    %c0_i32_1 = arith.constant 0 : i32
    return %c0_i32, %c0_i32_0 : i32, i32
  }
  func.func @transform_1(%arg0: i32) -> (i32, i32) {
    %c0_i32 = arith.constant 0 : i32
    %c0_i32_0 = arith.constant 0 : i32
    %c0_i32_1 = arith.constant 0 : i32
    return %c0_i32, %c0_i32_0 : i32, i32
  }
  func.func @transform_2(%arg0: i32) -> (i32, i32, i32) {
    %c0_i32 = arith.constant 0 : i32
    %c0_i32_0 = arith.constant 0 : i32
    %c0_i32_1 = arith.constant 0 : i32
    return %arg0, %c0_i32, %c0_i32_0 : i32, i32, i32
  }
  func.func @transform_3(%arg0: i32) -> (i32, i32) {
    %c0_i32 = arith.constant 0 : i32
    %c0_i32_0 = arith.constant 0 : i32
    return %arg0, %c0_i32 : i32, i32
  }
}

</mosaic_0001>

<sc_bundles>
// kernel: kernel.4.cloned.1.call-start
scs
__scs_entry_jumppad:
0x0: {  	(pc) =	sbr.rel $0x88, $3  }
0x1: {  	(tag) =	ssettag $0x0;
	lr =	simm.s32 $0x1  }
0x2: {  	[smem:$0x3F9D] =	sst lr;
	_ =	strace $0xD0000000  }
0x3: {  	_ = 	snop  }
0x4: {  	_ = 	snop  }
0x5: {  	_ = 	snop  }
0x6: {  	_ = 	snop  }
0x7: {  	_ = 	snop  }
__scs_overlays_trampoline_lowered:
0x8: {  	[smem:$0x3FAC] =	sst s0  }
0x9: {  	[smem:$0x3FAD] =	sst s1  }
0xa: {  	[smem:$0x3FAE] =	sst s2  }
0xb: {  	[smem:$0x3FAF] =	sst s3  }
0xc: {  	[smem:$0x3FB0] =	sst s4  }
0xd: {  	[smem:$0x3FB1] =	sst s5  }
0xe: {  	[smem:$0x3FB2] =	sst s6  }
0xf: {  	[smem:$0x3FB3] =	sst s7  }
0x10: {  	[smem:$0x3FB4] =	sst s8  }
0x11: {  	[smem:$0x3FB5] =	sst s9;
	s0 =	simm.s32 @!p0 $0x0  }
0x12: {  	s1 =	sld [smem:$0x3F9B];
	s0 =	simm.s32 @p0 $0x1  }
0x13: {  	[smem:$0x3FB6] =	sst s0;
	s0 =	simm.s32 @!p1 $0x0  }
0x14: {  	s2 =	sld [smem:$0x3F9A];
	s0 =	simm.s32 @p1 $0x1  }
0x15: {  	[smem:$0x3FB7] =	sst s0;
	s0 =	simm.s32 @!p2 $0x0  }
0x16: {  	s3 =	sld [smem:$0x3FDB];
	s0 =	simm.s32 @p2 $0x1  }
0x17: {  	s4 =	simm.s32 $0x1BF5;
	[smem:$0x3FB9] =	sst s0  }
0x18: {  	s0 =	sld [smem:$0x3F9C];
	_ =	swait.ge [sflag:s4], $0x0  }
0x19: {  	s7 =	sld [smem:$0x3F9D]  }
0x1a: {  	s8 =	sadd.s32 $0xFFFFE003, lr  }
0x1b: {  	s9 =	sadd.s32 $0xFFFFFEF7, lr;
	s5 =	simm.s32 $0xFFFFFFFF;
	p2 =	slt.u32 s8, $0xFFFFF086  }
0x1c: {  	p1 =	slt.u32 s9, $0xF7A;
	s5 =	simm.s32 @!p2 $0x0  }
0x1d: {  	s5 =	simm.s32 @p1 $0x1;
	p0 =	seq.s32 s7, s2  }
0x1e: {  	s7 =	smul.u32 @!p0 $0xF7A, s2;
	p2 =	seq.s32 @!p0 s5, $0x0  }
0x1f: {  	s9 =	smul.u32 $0xF7A, s1;
	s8 =	simm.s32 @!p0 $0x1BF5;
	p2 =	por !p2, p0  }
0x20: {  	[sflag:s8] =	ssyncset.s32 @!p0 $0xFFFFF086;
	s6 =	sadd.s32 @!p0 s3, s7;
	s7 =	simm.s32 @!p0 $0x108  }
0x21: {  	s3 =	sadd.s32 s3, s9;
	s6 =	sadd.s32 @!p0 $0x88, s6;
	s7 =	simm.s32 @p2 $0x1082  }
0x22: {  	[simem:s7], [sflag:s8] =	dma.local @!p0 [hbm:s6], $0xF7A  }
0x23: {  	s9 =	sor.u32 $0xD0000000, s2;
	s6 =	simm.s32 $0x108;
	_ =	swait.ge @!p0 [sflag:s8], $0x0  }
0x24: {  	s3 =	sadd.s32 $0x88, s3;
	s6 =	simm.s32 @!p1 $0x1082;
	[sflag:s4] =	ssyncset.s32 $0xFFFFF086  }
0x25: {  	[simem:s6], [sflag:s4] =	dma.local [hbm:s3], $0xF7A  }
0x26: {  	[smem:$0x3F9D] =	sst s1;
	(tag) =	ssettag s2;
	_ =	strace s9  }
0x27: {  	s1 =	sld [smem:$0x3FAD]  }
0x28: {  	s2 =	sld [smem:$0x3FAE]  }
0x29: {  	s4 =	sld [smem:$0x3FB0]  }
0x2a: {  	p0 =	seq.s32 s5, $0x0;
	s5 =	sld [smem:$0x3FB1]  }
0x2b: {  	s6 =	sld [smem:$0x3FB2]  }
0x2c: {  	s7 =	sld [smem:$0x3FB3]  }
0x2d: {  	s3 =	simm.s32 $0x108;
	s8 =	sld [smem:$0x3FB4]  }
0x2e: {  	s3 =	simm.s32 @!p0 $0x1082;
	s9 =	sld [smem:$0x3FB5]  }
0x2f: {  	lr =	sadd.s32 s0, s3;
	s0 =	sld [smem:$0x3FAC]  }
0x30: {  	s3 =	sld [smem:$0x3FAF]  }
0x31: {  	[smem:$0x3FB8] =	sst s10  }
0x32: {  	s10 =	sld [smem:$0x3FB6];
	_ =	sdelay $0x3  }
0x33: {  	p0 =	seq.s32 s10, $0x1;
	s10 =	sld [smem:$0x3FB8];
	_ =	sdelay $0x3  }
0x34: {  	[smem:$0x3FB8] =	sst s10  }
0x35: {  	s10 =	sld [smem:$0x3FB7];
	_ =	sdelay $0x3  }
0x36: {  	p1 =	seq.s32 s10, $0x1;
	s10 =	sld [smem:$0x3FB8];
	_ =	sdelay $0x3  }
0x37: {  	[smem:$0x3FB8] =	sst s10  }
0x38: {  	s10 =	sld [smem:$0x3FB9]  }
0x39: {  	_ = 	snop;
	(pc) =	sbr.ind lr, $3  }
0x3a: {  	_ = 	snop  }
0x3b: {  	_ = 	snop  }
0x3c: {  	p2 =	seq.s32 s10, $0x1;
	s10 =	sld [smem:$0x3FB8]  }
0x3d: {  	_ =	shalt  }
0x3e: {  	_ =	shalt  }
0x3f: {  	_ =	shalt  }
0x40: {  	_ =	shalt  }
0x41: {  	_ =	shalt  }
0x42: {  	_ =	shalt  }
0x43: {  	_ =	shalt  }
0x44: {  	_ =	shalt  }
0x45: {  	_ =	shalt  }
0x46: {  	_ =	shalt  }
0x47: {  	_ =	shalt  }
0x48: {  	_ =	shalt  }
0x49: {  	_ =	shalt  }
0x4a: {  	_ =	shalt  }
0x4b: {  	_ =	shalt  }
0x4c: {  	_ =	shalt  }
0x4d: {  	_ =	shalt  }
0x4e: {  	_ =	shalt  }
0x4f: {  	_ =	shalt  }
0x50: {  	_ =	shalt  }
0x51: {  	_ =	shalt  }
0x52: {  	_ =	shalt  }
0x53: {  	_ =	shalt  }
0x54: {  	_ =	shalt  }
0x55: {  	_ =	shalt  }
0x56: {  	_ =	shalt  }
0x57: {  	_ =	shalt  }
0x58: {  	_ =	shalt  }
0x59: {  	_ =	shalt  }
0x5a: {  	_ =	shalt  }
0x5b: {  	_ =	shalt  }
0x5c: {  	_ =	shalt  }
0x5d: {  	_ =	shalt  }
0x5e: {  	_ =	shalt  }
0x5f: {  	_ =	shalt  }
0x60: {  	_ =	shalt  }
0x61: {  	_ =	shalt  }
0x62: {  	_ =	shalt  }
0x63: {  	_ =	shalt  }
0x64: {  	_ =	shalt  }
0x65: {  	_ =	shalt  }
0x66: {  	_ =	shalt  }
0x67: {  	_ =	shalt  }
0x68: {  	_ =	shalt  }
0x69: {  	_ =	shalt  }
0x6a: {  	_ =	shalt  }
0x6b: {  	_ =	shalt  }
0x6c: {  	_ =	shalt  }
0x6d: {  	_ =	shalt  }
0x6e: {  	_ =	shalt  }
0x6f: {  	_ =	shalt  }
0x70: {  	_ =	shalt  }
0x71: {  	_ =	shalt  }
0x72: {  	_ =	shalt  }
0x73: {  	_ =	shalt  }
0x74: {  	_ =	shalt  }
0x75: {  	_ =	shalt  }
0x76: {  	_ =	shalt  }
0x77: {  	_ =	shalt  }
0x78: {  	_ =	shalt  }
0x79: {  	_ =	shalt  }
0x7a: {  	_ =	shalt  }
0x7b: {  	_ =	shalt  }
0x7c: {  	_ =	shalt  }
0x7d: {  	_ =	shalt  }
0x7e: {  	_ =	shalt  }
0x7f: {  	_ =	shalt  }
0x80: {  	_ =	shalt  }
0x81: {  	_ =	shalt  }
0x82: {  	_ =	shalt  }
0x83: {  	_ =	shalt  }
0x84: {  	_ =	shalt  }
0x85: {  	_ =	shalt  }
0x86: {  	_ =	shalt  }
0x87: {  	_ =	shalt  }
.Lfunc_end0:
.L_simem_size_0:
called_computation_lowered:
.L_overlay_start_0:
0x88: {  	s2 =	sld [smem:$0x3FD9]  }
0x89: {  	s3 =	sld [smem:$0x3FFE];
	_ =	sdelay $0x1  }
0x8a: {  	s1 =	srdreg.scid  }
0x8b: {  	s0 =	sand.u32 $0x1, s1  }
0x8c: {  	s17 =	sshll.u32 s0, $0xA;
	s2 =	sadd.s32 s3, s2  }
0x8d: {  	s2 =	sadd.s32 s2, s17  }
0x8e: {  	[smem:$0x3FC4] =	sst s2  }
0x8f: {  	_ = 	snop  }
0x90: {  	s2 =	sld [smem:$0x3FC8]  }
0x91: {  	s18 =	sld [smem:$0x3FC7]  }
0x92: {  	s4 =	sld [smem:$0x3FC6]  }
0x93: {  	s5 =	sld [smem:$0x3FD0];
	(tm) =	ssettm $0x1  }
0x94: {  	s6 =	sld [smem:$0x3FFB];
	_ =	sdelay $0x3  }
0x95: {  	_ =	strace s6  }
0x96: {  	s6 =	sld [smem:$0x3FFC];
	_ =	sdelay $0x3  }
0x97: {  	_ =	strace s6  }
0x98: {  	s6 =	sld [smem:$0x3FFD];
	_ =	sdelay $0x3  }
0x99: {  	_ =	strace s6  }
0x9a: {  	_ =	strace $0x8FFFFFFF  }
0x9b: {  	s19 =	sld [smem:$0x3FDB];
	_ =	sdelay $0x1  }
0x9c: {  	s7 =	simm.s32 $_scs_section_size  }
0x9d: {  	s8 =	simm.s32 $_size__tile_overlayer_lowered;
	s9 =	simm.s32 $_tile_overlayer_lowered  }
0x9e: {  	s22 =	simm.s32 $0x1BFF;
	s21 =	sshll.u32 s9, $0x1;
	s6 =	sadd.s32 s7, s19  }
0x9f: {  	s10 =	simm.s32 $0x0;
	s20 =	sshll.u32 s8, $0x1;
	s8 =	sadd.s32 s21, s6  }
0xa0: {  	[timem:s10], [sflag:s22] =	dma.local [hbm:s8], s20  }
0xa1: {  	_ =	swait.ge [sflag:s22], s20  }
0xa2: {  	s7 =	ssub.s32 $0x0, s20;
	[sflag:s22] =	ssyncset.done $0x0  }
0xa3: {  	[sflag:s22] =	ssyncadd.s32 s7;
	_ =	sdelay $0x1  }
0xa4: {  	s23 =	simm.s32 $0x1B8B  }
0xa5: {  	_ =	swait.ge [sflag:s23], $0x1  }
0xa6: {  	[sflag:s23] =	ssyncset.done $0x0  }
0xa7: {  	s25 =	simm.s32 $0x1B8E;
	s24 =	sld [smem:$0x3FFE];
	[sflag:s23] =	ssyncadd.s32 $0xFFFFFFFF  }
0xa8: {  	s26 =	simm.s32 $execute0_lowered;
	[smem:$0x3FD2] =	sst s25  }
0xa9: {  	s8 =	sshll.u32 s26, $0x1;
	_ =	strace $0x80000046;
	[dreg:$0x1] =	wrdreg $0xFFFFFFFF  }
0xaa: {  	s28 =	simm.s32 $_size_execute0_lowered;
	s6 =	sadd.s32 s6, s8;
	[dreg:$0x0] =	wrdreg $0x0  }
0xab: {  	s8 =	sshll.u32 s28, $0x1;
	[dreg:$0x2] =	wrdreg s6  }
0xac: {  	[dreg:$0x3] =	wrdreg s8  }
0xad: {  	[dreg:$0x4] =	wrdreg $0xC0  }
0xae: {  	_ =	task [dreg:s10], $0x5FFFF  }
0xaf: {  	[dreg:$0x1] =	wrdreg $0xFFFFFFFF  }
0xb0: {  	[dreg:$0x0] =	wrdreg $0x60  }
0xb1: {  	[dreg:$0x2] =	wrdreg s18  }
0xb2: {  	[dreg:$0x3] =	wrdreg s4  }
0xb3: {  	[dreg:$0x4] =	wrdreg s2  }
0xb4: {  	[dreg:$0x5] =	wrdreg s5  }
0xb5: {  	[dreg:$0x6] =	wrdreg s24  }
0xb6: {  	[dreg:$0x7] =	wrdreg $0x9  }
0xb7: {  	_ =	task.clear_ibuf [dreg:s10], $0x8FFFF;
	_ =	strace $0x90000046  }
0xb8: {  	s29 =	simm.s32 $0x9;
	_ =	strace $0x80000048  }
0xb9: {  	_ =	swait.ge [sflag:s29], $0x1  }
0xba: {  	[sflag:s29] =	ssyncadd.s32 $0xFFFFFFFF  }
0xbb: {  	_ =	strace $0x90000048  }
0xbc: {  	_ =	sfence  }
0xbd: {  	s30 =	sld [smem:$0x0];
	_ =	sdelay $0x2  }
0xbe: {  	s31 =	sshll.u32 s1, $0xD;
	s1 =	sshrl.u32 s1, $0x2  }
0xbf: {  	s3 =	sand.u32 $0x4000, s31;
	s1 =	sadd.s32 s1, s30  }
0xc0: {  	s0 =	sor.u32 s3, s0;
	s1 =	sshll.u32 s1, $0x11  }
0xc1: {  	s0 =	sor.u32 s1, s0  }
0xc2: {  	s0 =	sadd.s32 $0x8F2B, s0  }
0xc3: {  	[sflag:s0] =	ssyncadd.remote.s32 $0x1  }
0xc4: {  	_ =	sfence.sel $0xFFFF  }
0xc5: {  	[dreg:$0x0] =	wrdreg $0xFFFFFFFF;
	(pc) =	sbr.abs _section_cstart, $3  }
0xc6: {  	[dreg:$0x1] =	wrdreg $0xFFFFFFFF  }
0xc7: {  	_ =	task.clear_ibuf [dreg:s10], $0x2FFFF;
	_ =	strace $0x9FFFFFFF  }
0xc8: {  	(tm) =	ssettm $0x7FFFFFFF  }
0xc9: {  	_ =	shalt  }
tec
execute0_lowered:
.L_overlay_start_1:
0x0: {  	(tag) =	ssettag $0x1  }
0x1: {  	s1 =	srdreg.scid;
	s0 =	stileid.u32  }
0x2: {  	s14 =	sand.u32 $0x1, s1;
	s6 =	sshll.u32 s0, $0x1  }
0x3: {  	s2 =	rddreg [dreg:$0x0];
	s12 =	sor.u32 s14, s6  }
0x4: {  	s3 =	rddreg [dreg:$0x1];
	p0 =	sgt.u32 s12, $0x18  }
.Ltmp0:
0x5: {  	s5 =	rddreg [dreg:$0x2];
	(pc) =	sbr.rel @p0 .LBB2_4-.Ltmp0, $4  }
0x6: {  	s11 =	rddreg [dreg:$0x3]  }
0x7: {  	s13 =	rddreg [dreg:$0x4];
	s4 =	simm.s32 $0x0  }
0x8: {  	[smem:$0x7FF] =	sst s4  }
0x9: {  	s1 =	rddreg [dreg:$0x5];
	_ =	strace $0x80000047  }
0xa: {  	s15 =	smul.u32 $0x5, s12;
	_ =	sdelay $0x1  }
0xb: {  	s6 =	simm.s32 $0x4;
	s5 =	sadd.s32 s5, s15  }
0xc: {  	[tilespmem:s4], [sflag:$0x4] =	stream.linear.gather [hbm4b:s5+s4], $0x28, $0x38;
	[tilespmem:$0x1500] =	vst v63  }
0xd: {  	_ =	swait.ge [sflag:s6], $0x28  }
0xe: {  	[sflag:s6] =	ssyncset.done $0x0  }
0xf: {  	s7 =	simm.s32 $0x28;
	s8 =	simm.s32 $0x80;
	[sflag:s6] =	ssyncadd.s32 $0xFFFFFFD8  }
0x10: {  	[tilespmem:s8], [sflag:$0x1] =	stream.indirect.gather [hbm4b:s2+s7], $0x80, s4, s7, $0xb8;
	[tilespmem:$0x1500] =	vst v63  }
0x11: {  	s9 =	simm.s32 $0x1480;
	s10 =	simm.s32 $0x1  }
0x12: {  	[tilespmem:s9], [sflag:$0x2] =	stream.indirect.gather [hbm4b:s3+s7], $0x1, s4, s7, $0xb8;
	[tilespmem:$0x1500] =	vst v63  }
0x13: {  	s30 =	smul.u32 $0x280, s12;
	_ =	swait.ge [sflag:s10], $0x1400  }
0x14: {  	s12 =	simm.s32 $0x2;
	s14 =	ssub.s32 $0x2, s14;
	[sflag:s10] =	ssyncset.done $0x0  }
0x15: {  	s31 =	sshrl.u32 s14, $0x1;
	s11 =	sadd.s32 s11, s30;
	[sflag:s10] =	ssyncadd.s32 $0xFFFFEC00  }
0x16: {  	[hbm4b:s11+s4] =	stream.linear.scatter [tilespmem:s8], [sflag:$0x3], $0x1400, $0x38;
	[tilespmem:$0x1500] =	vst v63  }
0x17: {  	s14 =	ssub.s32 s14, s31;
	_ =	swait.ge [sflag:s12], $0x28  }
0x18: {  	s13 =	sadd.s32 s15, s13;
	s15 =	smax.u32 s14, $0x1;
	[sflag:s12] =	ssyncset.done $0x0  }
0x19: {  	s13 =	sadd.s32 $0xC00, s13;
	p0 =	sne.s32 s15, $0x1;
	[sflag:s12] =	ssyncadd.s32 $0xFFFFFFD8  }
0x1a: {  	[hbm4b:s13+s4] =	stream.linear.scatter [tilespmem:s9], [sflag:$0x4], $0x28, $0x38;
	[tilespmem:$0x1500] =	vst v63  }
.Ltmp1:
0x1b: {  	_ =	swait.ge [sflag:s6], $0x28;
	(pc) =	sbr.rel @!p0 .LBB2_3-.Ltmp1, $4  }
0x1c: {  	[sflag:s6] =	ssyncset.done $0x0  }
0x1d: {  	s14 =	simm.s32 $0x3;
	[sflag:s6] =	ssyncadd.s32 $0xFFFFFFD8  }
0x1e: {  	_ =	swait.ge [sflag:s14], $0x1400  }
0x1f: {  	s15 =	sadd.s32 $0xFFFFFFFF, s15;
	[sflag:s14] =	ssyncset.done $0x0  }
.LBB2_2:
0x20: {  	p0 =	sne.s32 s15, $0x1;
	s15 =	sadd.s32 $0xFFFFFFFF, s15;
	[sflag:s14] =	ssyncadd.s32 $0xFFFFEC00  }
0x21: {  	[tilespmem:s4], [sflag:$0x4] =	stream.linear.gather [hbm4b:s5+s4], $0x28, $0x38;
	[tilespmem:$0x1500] =	vst v63  }
0x22: {  	_ =	swait.ge [sflag:s6], $0x28  }
0x23: {  	[sflag:s6] =	ssyncset.done $0x0  }
0x24: {  	[sflag:s6] =	ssyncadd.s32 $0xFFFFFFD8  }
0x25: {  	[tilespmem:s8], [sflag:$0x1] =	stream.indirect.gather [hbm4b:s2+s7], $0x80, s4, s7, $0xb8;
	[tilespmem:$0x1500] =	vst v63  }
0x26: {  	_ = 	snop  }
0x27: {  	[tilespmem:s9], [sflag:$0x2] =	stream.indirect.gather [hbm4b:s3+s7], $0x1, s4, s7, $0xb8;
	[tilespmem:$0x1500] =	vst v63  }
0x28: {  	_ =	swait.ge [sflag:s10], $0x1400  }
0x29: {  	[sflag:s10] =	ssyncset.done $0x0  }
0x2a: {  	[sflag:s10] =	ssyncadd.s32 $0xFFFFEC00  }
0x2b: {  	[hbm4b:s11+s4] =	stream.linear.scatter [tilespmem:s8], [sflag:$0x3], $0x1400, $0x38;
	[tilespmem:$0x1500] =	vst v63  }
0x2c: {  	_ =	swait.ge [sflag:s12], $0x28  }
0x2d: {  	[sflag:s12] =	ssyncset.done $0x0  }
0x2e: {  	[sflag:s12] =	ssyncadd.s32 $0xFFFFFFD8  }
0x2f: {  	[hbm4b:s13+s4] =	stream.linear.scatter [tilespmem:s9], [sflag:$0x4], $0x28, $0x38;
	[tilespmem:$0x1500] =	vst v63  }
.Ltmp2:
0x30: {  	_ =	swait.ge [sflag:s6], $0x28;
	(pc) =	sbr.rel @p0 .LBB2_2-.Ltmp2, $4  }
0x31: {  	[sflag:s6] =	ssyncset.done $0x0  }
0x32: {  	[sflag:s6] =	ssyncadd.s32 $0xFFFFFFD8  }
0x33: {  	_ =	swait.ge [sflag:s14], $0x1400  }
0x34: {  	[sflag:s14] =	ssyncset.done $0x0  }
.LBB2_3:
0x35: {  	[sflag:s14] =	ssyncadd.s32 $0xFFFFEC00  }
.LBB2_4:
0x36: {  	_ =	sfence.sel $0x180000  }
0x37: {  	[bflag:$0x0] =	sbarrier.arrive $0xFFFF  }
0x38: {  	p0 =	sne.s32 s0, $0x0;
	_ =	strace $0x90000047  }
0x39: {  	s0 =	sadd.s32 @!p0 $0x100000, s1;
	[bflag:$0x2] =	sbarrier.arrive $0xFFFF  }
0x3a: {  	[sflag:s0] =	ssyncadd.tile.s32 @!p0 $0x1;
	_ =	shalt  }
.Lfunc_end2:
_tile_overlayer_lowered:
.L_overlay_start_2:
0x3b: {  	(tag) =	ssettag $0x2  }
0x3c: {  	s0 =	rddreg [dreg:$0x0];
	s2 =	stileid.u32  }
0x3d: {  	s1 =	rddreg [dreg:$0x1];
	p0 =	sne.s32 s2, $0x0  }
0x3e: {  	s3 =	rddreg [dreg:$0x2];
	[bflag:$0x3] =	sbarrier.arrive $0xFFFF;
	s2 =	simm.s32 @!p0 $0x1C04  }
0x3f: {  	[timem:s3], [sflag:s2] =	dma.local @!p0 [hbm:s0], s1  }
0x40: {  	s0 =	simm.s32 @!p0 $0x4  }
0x41: {  	_ =	swait.ge @!p0 [sflag:s0], s1  }
0x42: {  	s1 =	ssub.s32 @!p0 $0x0, s1;
	[sflag:s0] =	ssyncset.done @!p0 $0x0  }
0x43: {  	[sflag:s0] =	ssyncadd.s32 @!p0 s1  }
0x44: {  	[bflag:$0x3] =	sbarrier.arrive $0xFFFF  }
0x45: {  	_ =	shalt  }

</sc_bundles>
